<compile_context>
chip_gen: v7x
topology: tpu7x:2x2x1
jax: 0.10.2.dev20260603
libtpu: 0.0.44.dev20260713+nightly
codegen_flags: <defaults>
</compile_context>

<pallas_src>
import functools

import jax
import jax.numpy as jnp
from jax import lax
from jax.experimental import pallas as pl
from jax.experimental.pallas import tpu as pltpu
from jax.experimental.pallas import tpu_sc as plsc

_N = 67108864
_NC = 2
_CSHARE = _N // _NC
_SCHUNK = 524288
_NITER = _CSHARE // _SCHUNK


def _sc_body(x_hbm, o_hbm, buf0, buf1, head, isem, osem):
    cid = lax.axis_index("c")
    sid = lax.axis_index("s")
    base = cid * _CSHARE

    def in_copy(i, buf, sem):
        return pltpu.make_async_copy(
            x_hbm.at[pl.ds(base + i * _SCHUNK, _SCHUNK)], buf, sem)

    def out_copy(i, buf, sem):
        return pltpu.make_async_copy(
            buf, o_hbm.at[pl.ds(base + i * _SCHUNK, _SCHUNK)], sem)

    @pl.when(sid == 0)
    def _stream():
        in_copy(0, buf0, isem.at[0]).start()
        in_copy(1, buf1, isem.at[1]).start()
        in_copy(0, buf0, isem.at[0]).wait()
        out_copy(0, buf0, osem.at[0]).start()
        in_copy(1, buf1, isem.at[1]).wait()
        out_copy(1, buf1, osem.at[1]).start()

        def body(j, carry):
            i0, i1 = 2 * j, 2 * j + 1
            out_copy(i0 - 2, buf0, osem.at[0]).wait()
            in_copy(i0, buf0, isem.at[0]).start()
            out_copy(i1 - 2, buf1, osem.at[1]).wait()
            in_copy(i1, buf1, isem.at[1]).start()
            in_copy(i0, buf0, isem.at[0]).wait()
            out_copy(i0, buf0, osem.at[0]).start()
            in_copy(i1, buf1, isem.at[1]).wait()
            out_copy(i1, buf1, osem.at[1]).start()
            return carry

        lax.fori_loop(1, _NITER // 2, body, 0)
        out_copy(_NITER - 2, buf0, osem.at[0]).wait()
        out_copy(_NITER - 1, buf1, osem.at[1]).wait()

    @pl.when((cid == 0) & (sid == 0))
    def _patch():
        pltpu.sync_copy(x_hbm.at[pl.ds(0, 16)], head)
        idx = lax.iota(jnp.int32, 16)
        head[...] = jnp.where(idx == 0, jnp.float32(0.0), head[...])
        pltpu.sync_copy(head, o_hbm.at[pl.ds(0, 16)])


_sc_copy = functools.partial(
    pl.kernel,
    out_type=jax.ShapeDtypeStruct((_N,), jnp.float32),
    mesh=plsc.VectorSubcoreMesh(core_axis_name="c", subcore_axis_name="s"),
    scratch_types=[
        pltpu.VMEM_SHARED((_SCHUNK,), jnp.float32),
        pltpu.VMEM_SHARED((_SCHUNK,), jnp.float32),
        pltpu.VMEM((16,), jnp.float32),
        pltpu.SemaphoreType.DMA((2,)),
        pltpu.SemaphoreType.DMA((2,)),
    ],
)(_sc_body)


def kernel(x):
    return _sc_copy(x)

# --- scband reference (transcript-rebuilt; emitter-appended) ---
"""Pipeline reference for scband-model-58729382806018 (READ-ONLY COPY).

The authoritative reference and input builder live on the scoring server;
editing this copy changes nothing except your own understanding.
"""

import jax, jax.numpy as jnp
import numpy as np

N = 67108864

def setup_inputs(seed: int = 0) -> dict:
    key = jax.random.key(seed)
    x = jax.random.normal(key, (N,), dtype=jnp.float32)
    return {"x": x}

def reference(x):
    # torch.select_scatter(x, tensor(0.0), dim=0, index=0):
    # returns a copy of x with x[0] replaced by the scalar 0.
    y = jnp.asarray(0.0, dtype=x.dtype)
    out = x.at[0].set(y)
    return out

if __name__ == "__main__":
    import jax
    _d = setup_inputs()
    print(jax.jit(kernel)(*tuple(_d.values())))

</pallas_src>

<mosaic_0001>
#map = affine_map<(d0, d1) -> (0)>
module attributes {stable_mosaic.version = 14 : i64} {
  func.func @_sc_body(%arg0: i32, %arg1: i32, %arg2: memref<67108864xf32, #tpu.memory_space<hbm>>, %arg3: memref<67108864xf32, #tpu.memory_space<hbm>>, %arg4: memref<524288xf32, #tpu.memory_space<vmem_shared>>, %arg5: memref<524288xf32, #tpu.memory_space<vmem_shared>>, %arg6: memref<16xf32, #tpu.memory_space<vmem>>, %arg7: memref<2x!tpu.dma_semaphore, #tpu.memory_space<semaphore_mem>>, %arg8: memref<2x!tpu.dma_semaphore, #tpu.memory_space<semaphore_mem>>) attributes {dimension_semantics = [#tpu.dimension_semantics<core_parallel>, #tpu.dimension_semantics<subcore_parallel>], iteration_bounds = array<i64: 2, 16>, scalar_prefetch = 0 : i64, scratch_operands = 5 : i64, tpu.core_type = #tpu.core_type<sc_vector_subcore>, window_params = [{transform_indices = #map}, {transform_indices = #map}]} {
    %mul3A = arith.constant 33554432 : i32
    %mul3A_0 = arith.muli %arg0, %mul3A : i32
    %eq3A = arith.constant 0 : i32
    %eq3A_1 = arith.cmpi eq, %arg1, %eq3A : i32
    %convert_element_type3A = arith.extui %eq3A_1 : i1 to i32
    %cond3A = arith.constant 0 : i32
    %cond3A_2 = arith.cmpi ne, %convert_element_type3A, %cond3A : i32
    scf.if %cond3A_2 {
      %add3A = arith.constant 0 : i32
      %add3A_10 = arith.addi %mul3A_0, %add3A : i32
      %dma_start3A = arith.constant 0 : i32
      %dma_start3A_11 = tpu.memref_slice %arg7[%dma_start3A] : memref<2x!tpu.dma_semaphore, #tpu.memory_space<semaphore_mem>> -> memref<1x!tpu.dma_semaphore, #tpu.memory_space<semaphore_mem>>
      %dma_start3A_12 = tpu.memref_squeeze %dma_start3A_11 : memref<1x!tpu.dma_semaphore, #tpu.memory_space<semaphore_mem>> -> memref<!tpu.dma_semaphore, #tpu.memory_space<semaphore_mem>>
      %dma_start3A_13 = tpu.memref_slice %arg2[%add3A_10] : memref<67108864xf32, #tpu.memory_space<hbm>> -> memref<524288xf32, #tpu.memory_space<hbm>>
      tpu.enqueue_dma source(%dma_start3A_13 : memref<524288xf32, #tpu.memory_space<hbm>>) target(%arg4 : memref<524288xf32, #tpu.memory_space<vmem_shared>>) target_semaphore(%dma_start3A_12 : memref<!tpu.dma_semaphore, #tpu.memory_space<semaphore_mem>>)
      %add3A_14 = arith.constant 524288 : i32
      %add3A_15 = arith.addi %mul3A_0, %add3A_14 : i32
      %dma_start3A_16 = arith.constant 1 : i32
      %dma_start3A_17 = tpu.memref_slice %arg7[%dma_start3A_16] : memref<2x!tpu.dma_semaphore, #tpu.memory_space<semaphore_mem>> -> memref<1x!tpu.dma_semaphore, #tpu.memory_space<semaphore_mem>>
      %dma_start3A_18 = tpu.memref_squeeze %dma_start3A_17 : memref<1x!tpu.dma_semaphore, #tpu.memory_space<semaphore_mem>> -> memref<!tpu.dma_semaphore, #tpu.memory_space<semaphore_mem>>
      %dma_start3A_19 = tpu.memref_slice %arg2[%add3A_15] : memref<67108864xf32, #tpu.memory_space<hbm>> -> memref<524288xf32, #tpu.memory_space<hbm>>
      tpu.enqueue_dma source(%dma_start3A_19 : memref<524288xf32, #tpu.memory_space<hbm>>) target(%arg5 : memref<524288xf32, #tpu.memory_space<vmem_shared>>) target_semaphore(%dma_start3A_18 : memref<!tpu.dma_semaphore, #tpu.memory_space<semaphore_mem>>)
      %add3A_20 = arith.constant 0 : i32
      %add3A_21 = arith.addi %mul3A_0, %add3A_20 : i32
      %dma_wait3A = arith.constant 0 : i32
      %dma_wait3A_22 = tpu.memref_slice %arg7[%dma_wait3A] : memref<2x!tpu.dma_semaphore, #tpu.memory_space<semaphore_mem>> -> memref<1x!tpu.dma_semaphore, #tpu.memory_space<semaphore_mem>>
      %dma_wait3A_23 = tpu.memref_squeeze %dma_wait3A_22 : memref<1x!tpu.dma_semaphore, #tpu.memory_space<semaphore_mem>> -> memref<!tpu.dma_semaphore, #tpu.memory_space<semaphore_mem>>
      %dma_wait3A_24 = tpu.memref_slice %arg2[%add3A_21] : memref<67108864xf32, #tpu.memory_space<hbm>> -> memref<524288xf32, #tpu.memory_space<hbm>>
      tpu.wait_dma2 semaphore(%dma_wait3A_23 : memref<!tpu.dma_semaphore, #tpu.memory_space<semaphore_mem>>) src(%dma_wait3A_24 : memref<524288xf32, #tpu.memory_space<hbm>>) dst(%arg4 : memref<524288xf32, #tpu.memory_space<vmem_shared>>)
      %add3A_25 = arith.constant 0 : i32
      %add3A_26 = arith.addi %mul3A_0, %add3A_25 : i32
      %dma_start3A_27 = arith.constant 0 : i32
      %dma_start3A_28 = tpu.memref_slice %arg8[%dma_start3A_27] : memref<2x!tpu.dma_semaphore, #tpu.memory_space<semaphore_mem>> -> memref<1x!tpu.dma_semaphore, #tpu.memory_space<semaphore_mem>>
      %dma_start3A_29 = tpu.memref_squeeze %dma_start3A_28 : memref<1x!tpu.dma_semaphore, #tpu.memory_space<semaphore_mem>> -> memref<!tpu.dma_semaphore, #tpu.memory_space<semaphore_mem>>
      %dma_start3A_30 = tpu.memref_slice %arg3[%add3A_26] : memref<67108864xf32, #tpu.memory_space<hbm>> -> memref<524288xf32, #tpu.memory_space<hbm>>
      tpu.enqueue_dma source(%arg4 : memref<524288xf32, #tpu.memory_space<vmem_shared>>) target(%dma_start3A_30 : memref<524288xf32, #tpu.memory_space<hbm>>) target_semaphore(%dma_start3A_29 : memref<!tpu.dma_semaphore, #tpu.memory_space<semaphore_mem>>)
      %add3A_31 = arith.constant 524288 : i32
      %add3A_32 = arith.addi %mul3A_0, %add3A_31 : i32
      %dma_wait3A_33 = arith.constant 1 : i32
      %dma_wait3A_34 = tpu.memref_slice %arg7[%dma_wait3A_33] : memref<2x!tpu.dma_semaphore, #tpu.memory_space<semaphore_mem>> -> memref<1x!tpu.dma_semaphore, #tpu.memory_space<semaphore_mem>>
      %dma_wait3A_35 = tpu.memref_squeeze %dma_wait3A_34 : memref<1x!tpu.dma_semaphore, #tpu.memory_space<semaphore_mem>> -> memref<!tpu.dma_semaphore, #tpu.memory_space<semaphore_mem>>
      %dma_wait3A_36 = tpu.memref_slice %arg2[%add3A_32] : memref<67108864xf32, #tpu.memory_space<hbm>> -> memref<524288xf32, #tpu.memory_space<hbm>>
      tpu.wait_dma2 semaphore(%dma_wait3A_35 : memref<!tpu.dma_semaphore, #tpu.memory_space<semaphore_mem>>) src(%dma_wait3A_36 : memref<524288xf32, #tpu.memory_space<hbm>>) dst(%arg5 : memref<524288xf32, #tpu.memory_space<vmem_shared>>)
      %add3A_37 = arith.constant 524288 : i32
      %add3A_38 = arith.addi %mul3A_0, %add3A_37 : i32
      %dma_start3A_39 = arith.constant 1 : i32
      %dma_start3A_40 = tpu.memref_slice %arg8[%dma_start3A_39] : memref<2x!tpu.dma_semaphore, #tpu.memory_space<semaphore_mem>> -> memref<1x!tpu.dma_semaphore, #tpu.memory_space<semaphore_mem>>
      %dma_start3A_41 = tpu.memref_squeeze %dma_start3A_40 : memref<1x!tpu.dma_semaphore, #tpu.memory_space<semaphore_mem>> -> memref<!tpu.dma_semaphore, #tpu.memory_space<semaphore_mem>>
      %dma_start3A_42 = tpu.memref_slice %arg3[%add3A_38] : memref<67108864xf32, #tpu.memory_space<hbm>> -> memref<524288xf32, #tpu.memory_space<hbm>>
      tpu.enqueue_dma source(%arg5 : memref<524288xf32, #tpu.memory_space<vmem_shared>>) target(%dma_start3A_42 : memref<524288xf32, #tpu.memory_space<hbm>>) target_semaphore(%dma_start3A_41 : memref<!tpu.dma_semaphore, #tpu.memory_space<semaphore_mem>>)
      %scan3A = arith.constant 0 : i32
      %scan3A_43 = arith.constant 1 : i32
      %scan3A_44 = arith.constant 31 : i32
      %scan3A_45 = arith.addi %scan3A_43, %scan3A_44 : i32
      %scan3A_46 = arith.constant 1 : i32
      scf.for %scan3A_60 = %scan3A_43 to %scan3A_45 step %scan3A_46  : i32 {
        %mul3A_61 = arith.constant 2 : i32
        %mul3A_62 = arith.muli %mul3A_61, %scan3A_60 : i32
        %mul3A_63 = arith.constant 2 : i32
        %mul3A_64 = arith.muli %mul3A_63, %scan3A_60 : i32
        %add3A_65 = arith.constant 1 : i32
        %add3A_66 = arith.addi %mul3A_64, %add3A_65 : i32
        %sub3A = arith.constant 2 : i32
        %sub3A_67 = arith.subi %mul3A_62, %sub3A : i32
        %mul3A_68 = arith.constant 524288 : i32
        %mul3A_69 = arith.muli %sub3A_67, %mul3A_68 : i32
        %add3A_70 = arith.addi %mul3A_0, %mul3A_69 : i32
        %dma_wait3A_71 = arith.constant 0 : i32
        %dma_wait3A_72 = tpu.memref_slice %arg8[%dma_wait3A_71] : memref<2x!tpu.dma_semaphore, #tpu.memory_space<semaphore_mem>> -> memref<1x!tpu.dma_semaphore, #tpu.memory_space<semaphore_mem>>
        %dma_wait3A_73 = tpu.memref_squeeze %dma_wait3A_72 : memref<1x!tpu.dma_semaphore, #tpu.memory_space<semaphore_mem>> -> memref<!tpu.dma_semaphore, #tpu.memory_space<semaphore_mem>>
        %dma_wait3A_74 = tpu.memref_slice %arg3[%add3A_70] : memref<67108864xf32, #tpu.memory_space<hbm>> -> memref<524288xf32, #tpu.memory_space<hbm>>
        tpu.wait_dma2 semaphore(%dma_wait3A_73 : memref<!tpu.dma_semaphore, #tpu.memory_space<semaphore_mem>>) src(%arg4 : memref<524288xf32, #tpu.memory_space<vmem_shared>>) dst(%dma_wait3A_74 : memref<524288xf32, #tpu.memory_space<hbm>>)
        %mul3A_75 = arith.constant 524288 : i32
        %mul3A_76 = arith.muli %mul3A_62, %mul3A_75 : i32
        %add3A_77 = arith.addi %mul3A_0, %mul3A_76 : i32
        %dma_start3A_78 = arith.constant 0 : i32
        %dma_start3A_79 = tpu.memref_slice %arg7[%dma_start3A_78] : memref<2x!tpu.dma_semaphore, #tpu.memory_space<semaphore_mem>> -> memref<1x!tpu.dma_semaphore, #tpu.memory_space<semaphore_mem>>
        %dma_start3A_80 = tpu.memref_squeeze %dma_start3A_79 : memref<1x!tpu.dma_semaphore, #tpu.memory_space<semaphore_mem>> -> memref<!tpu.dma_semaphore, #tpu.memory_space<semaphore_mem>>
        %dma_start3A_81 = tpu.memref_slice %arg2[%add3A_77] : memref<67108864xf32, #tpu.memory_space<hbm>> -> memref<524288xf32, #tpu.memory_space<hbm>>
        tpu.enqueue_dma source(%dma_start3A_81 : memref<524288xf32, #tpu.memory_space<hbm>>) target(%arg4 : memref<524288xf32, #tpu.memory_space<vmem_shared>>) target_semaphore(%dma_start3A_80 : memref<!tpu.dma_semaphore, #tpu.memory_space<semaphore_mem>>)
        %sub3A_82 = arith.constant 2 : i32
        %sub3A_83 = arith.subi %add3A_66, %sub3A_82 : i32
        %mul3A_84 = arith.constant 524288 : i32
        %mul3A_85 = arith.muli %sub3A_83, %mul3A_84 : i32
        %add3A_86 = arith.addi %mul3A_0, %mul3A_85 : i32
        %dma_wait3A_87 = arith.constant 1 : i32
        %dma_wait3A_88 = tpu.memref_slice %arg8[%dma_wait3A_87] : memref<2x!tpu.dma_semaphore, #tpu.memory_space<semaphore_mem>> -> memref<1x!tpu.dma_semaphore, #tpu.memory_space<semaphore_mem>>
        %dma_wait3A_89 = tpu.memref_squeeze %dma_wait3A_88 : memref<1x!tpu.dma_semaphore, #tpu.memory_space<semaphore_mem>> -> memref<!tpu.dma_semaphore, #tpu.memory_space<semaphore_mem>>
        %dma_wait3A_90 = tpu.memref_slice %arg3[%add3A_86] : memref<67108864xf32, #tpu.memory_space<hbm>> -> memref<524288xf32, #tpu.memory_space<hbm>>
        tpu.wait_dma2 semaphore(%dma_wait3A_89 : memref<!tpu.dma_semaphore, #tpu.memory_space<semaphore_mem>>) src(%arg5 : memref<524288xf32, #tpu.memory_space<vmem_shared>>) dst(%dma_wait3A_90 : memref<524288xf32, #tpu.memory_space<hbm>>)
        %mul3A_91 = arith.constant 524288 : i32
        %mul3A_92 = arith.muli %add3A_66, %mul3A_91 : i32
        %add3A_93 = arith.addi %mul3A_0, %mul3A_92 : i32
        %dma_start3A_94 = arith.constant 1 : i32
        %dma_start3A_95 = tpu.memref_slice %arg7[%dma_start3A_94] : memref<2x!tpu.dma_semaphore, #tpu.memory_space<semaphore_mem>> -> memref<1x!tpu.dma_semaphore, #tpu.memory_space<semaphore_mem>>
        %dma_start3A_96 = tpu.memref_squeeze %dma_start3A_95 : memref<1x!tpu.dma_semaphore, #tpu.memory_space<semaphore_mem>> -> memref<!tpu.dma_semaphore, #tpu.memory_space<semaphore_mem>>
        %dma_start3A_97 = tpu.memref_slice %arg2[%add3A_93] : memref<67108864xf32, #tpu.memory_space<hbm>> -> memref<524288xf32, #tpu.memory_space<hbm>>
        tpu.enqueue_dma source(%dma_start3A_97 : memref<524288xf32, #tpu.memory_space<hbm>>) target(%arg5 : memref<524288xf32, #tpu.memory_space<vmem_shared>>) target_semaphore(%dma_start3A_96 : memref<!tpu.dma_semaphore, #tpu.memory_space<semaphore_mem>>)
        %mul3A_98 = arith.constant 524288 : i32
        %mul3A_99 = arith.muli %mul3A_62, %mul3A_98 : i32
        %add3A_100 = arith.addi %mul3A_0, %mul3A_99 : i32
        %dma_wait3A_101 = arith.constant 0 : i32
        %dma_wait3A_102 = tpu.memref_slice %arg7[%dma_wait3A_101] : memref<2x!tpu.dma_semaphore, #tpu.memory_space<semaphore_mem>> -> memref<1x!tpu.dma_semaphore, #tpu.memory_space<semaphore_mem>>
        %dma_wait3A_103 = tpu.memref_squeeze %dma_wait3A_102 : memref<1x!tpu.dma_semaphore, #tpu.memory_space<semaphore_mem>> -> memref<!tpu.dma_semaphore, #tpu.memory_space<semaphore_mem>>
        %dma_wait3A_104 = tpu.memref_slice %arg2[%add3A_100] : memref<67108864xf32, #tpu.memory_space<hbm>> -> memref<524288xf32, #tpu.memory_space<hbm>>
        tpu.wait_dma2 semaphore(%dma_wait3A_103 : memref<!tpu.dma_semaphore, #tpu.memory_space<semaphore_mem>>) src(%dma_wait3A_104 : memref<524288xf32, #tpu.memory_space<hbm>>) dst(%arg4 : memref<524288xf32, #tpu.memory_space<vmem_shared>>)
        %mul3A_105 = arith.constant 524288 : i32
        %mul3A_106 = arith.muli %mul3A_62, %mul3A_105 : i32
        %add3A_107 = arith.addi %mul3A_0, %mul3A_106 : i32
        %dma_start3A_108 = arith.constant 0 : i32
        %dma_start3A_109 = tpu.memref_slice %arg8[%dma_start3A_108] : memref<2x!tpu.dma_semaphore, #tpu.memory_space<semaphore_mem>> -> memref<1x!tpu.dma_semaphore, #tpu.memory_space<semaphore_mem>>
        %dma_start3A_110 = tpu.memref_squeeze %dma_start3A_109 : memref<1x!tpu.dma_semaphore, #tpu.memory_space<semaphore_mem>> -> memref<!tpu.dma_semaphore, #tpu.memory_space<semaphore_mem>>
        %dma_start3A_111 = tpu.memref_slice %arg3[%add3A_107] : memref<67108864xf32, #tpu.memory_space<hbm>> -> memref<524288xf32, #tpu.memory_space<hbm>>
        tpu.enqueue_dma source(%arg4 : memref<524288xf32, #tpu.memory_space<vmem_shared>>) target(%dma_start3A_111 : memref<524288xf32, #tpu.memory_space<hbm>>) target_semaphore(%dma_start3A_110 : memref<!tpu.dma_semaphore, #tpu.memory_space<semaphore_mem>>)
        %mul3A_112 = arith.constant 524288 : i32
        %mul3A_113 = arith.muli %add3A_66, %mul3A_112 : i32
        %add3A_114 = arith.addi %mul3A_0, %mul3A_113 : i32
        %dma_wait3A_115 = arith.constant 1 : i32
        %dma_wait3A_116 = tpu.memref_slice %arg7[%dma_wait3A_115] : memref<2x!tpu.dma_semaphore, #tpu.memory_space<semaphore_mem>> -> memref<1x!tpu.dma_semaphore, #tpu.memory_space<semaphore_mem>>
        %dma_wait3A_117 = tpu.memref_squeeze %dma_wait3A_116 : memref<1x!tpu.dma_semaphore, #tpu.memory_space<semaphore_mem>> -> memref<!tpu.dma_semaphore, #tpu.memory_space<semaphore_mem>>
        %dma_wait3A_118 = tpu.memref_slice %arg2[%add3A_114] : memref<67108864xf32, #tpu.memory_space<hbm>> -> memref<524288xf32, #tpu.memory_space<hbm>>
        tpu.wait_dma2 semaphore(%dma_wait3A_117 : memref<!tpu.dma_semaphore, #tpu.memory_space<semaphore_mem>>) src(%dma_wait3A_118 : memref<524288xf32, #tpu.memory_space<hbm>>) dst(%arg5 : memref<524288xf32, #tpu.memory_space<vmem_shared>>)
        %mul3A_119 = arith.constant 524288 : i32
        %mul3A_120 = arith.muli %add3A_66, %mul3A_119 : i32
        %add3A_121 = arith.addi %mul3A_0, %mul3A_120 : i32
        %dma_start3A_122 = arith.constant 1 : i32
        %dma_start3A_123 = tpu.memref_slice %arg8[%dma_start3A_122] : memref<2x!tpu.dma_semaphore, #tpu.memory_space<semaphore_mem>> -> memref<1x!tpu.dma_semaphore, #tpu.memory_space<semaphore_mem>>
        %dma_start3A_124 = tpu.memref_squeeze %dma_start3A_123 : memref<1x!tpu.dma_semaphore, #tpu.memory_space<semaphore_mem>> -> memref<!tpu.dma_semaphore, #tpu.memory_space<semaphore_mem>>
        %dma_start3A_125 = tpu.memref_slice %arg3[%add3A_121] : memref<67108864xf32, #tpu.memory_space<hbm>> -> memref<524288xf32, #tpu.memory_space<hbm>>
        tpu.enqueue_dma source(%arg5 : memref<524288xf32, #tpu.memory_space<vmem_shared>>) target(%dma_start3A_125 : memref<524288xf32, #tpu.memory_space<hbm>>) target_semaphore(%dma_start3A_124 : memref<!tpu.dma_semaphore, #tpu.memory_space<semaphore_mem>>)
      }
      %scan3A_47 = arith.constant 31 : i32
      %add3A_48 = arith.constant 32505856 : i32
      %add3A_49 = arith.addi %mul3A_0, %add3A_48 : i32
      %dma_wait3A_50 = arith.constant 0 : i32
      %dma_wait3A_51 = tpu.memref_slice %arg8[%dma_wait3A_50] : memref<2x!tpu.dma_semaphore, #tpu.memory_space<semaphore_mem>> -> memref<1x!tpu.dma_semaphore, #tpu.memory_space<semaphore_mem>>
      %dma_wait3A_52 = tpu.memref_squeeze %dma_wait3A_51 : memref<1x!tpu.dma_semaphore, #tpu.memory_space<semaphore_mem>> -> memref<!tpu.dma_semaphore, #tpu.memory_space<semaphore_mem>>
      %dma_wait3A_53 = tpu.memref_slice %arg3[%add3A_49] : memref<67108864xf32, #tpu.memory_space<hbm>> -> memref<524288xf32, #tpu.memory_space<hbm>>
      tpu.wait_dma2 semaphore(%dma_wait3A_52 : memref<!tpu.dma_semaphore, #tpu.memory_space<semaphore_mem>>) src(%arg4 : memref<524288xf32, #tpu.memory_space<vmem_shared>>) dst(%dma_wait3A_53 : memref<524288xf32, #tpu.memory_space<hbm>>)
      %add3A_54 = arith.constant 33030144 : i32
      %add3A_55 = arith.addi %mul3A_0, %add3A_54 : i32
      %dma_wait3A_56 = arith.constant 1 : i32
      %dma_wait3A_57 = tpu.memref_slice %arg8[%dma_wait3A_56] : memref<2x!tpu.dma_semaphore, #tpu.memory_space<semaphore_mem>> -> memref<1x!tpu.dma_semaphore, #tpu.memory_space<semaphore_mem>>
      %dma_wait3A_58 = tpu.memref_squeeze %dma_wait3A_57 : memref<1x!tpu.dma_semaphore, #tpu.memory_space<semaphore_mem>> -> memref<!tpu.dma_semaphore, #tpu.memory_space<semaphore_mem>>
      %dma_wait3A_59 = tpu.memref_slice %arg3[%add3A_55] : memref<67108864xf32, #tpu.memory_space<hbm>> -> memref<524288xf32, #tpu.memory_space<hbm>>
      tpu.wait_dma2 semaphore(%dma_wait3A_58 : memref<!tpu.dma_semaphore, #tpu.memory_space<semaphore_mem>>) src(%arg5 : memref<524288xf32, #tpu.memory_space<vmem_shared>>) dst(%dma_wait3A_59 : memref<524288xf32, #tpu.memory_space<hbm>>)
    } else {
    }
    %eq3A_3 = arith.constant 0 : i32
    %eq3A_4 = arith.cmpi eq, %arg0, %eq3A_3 : i32
    %eq3A_5 = arith.constant 0 : i32
    %eq3A_6 = arith.cmpi eq, %arg1, %eq3A_5 : i32
    %and3A = arith.andi %eq3A_4, %eq3A_6 : i1
    %convert_element_type3A_7 = arith.extui %and3A : i1 to i32
    %cond3A_8 = arith.constant 0 : i32
    %cond3A_9 = arith.cmpi ne, %convert_element_type3A_7, %cond3A_8 : i32
    scf.if %cond3A_9 {
      "tpu.region"() ({
        %run_scoped3A = tpu.sem_alloc : memref<!tpu.dma_semaphore, #tpu.memory_space<semaphore_mem>>
        %dma_start3A = arith.constant 0 : i32
        %dma_start3A_18 = tpu.memref_slice %arg2[%dma_start3A] : memref<67108864xf32, #tpu.memory_space<hbm>> -> memref<16xf32, #tpu.memory_space<hbm>>
        %dma_start3A_19 = arith.constant 0 : i32
        %dma_start3A_20 = tpu.memref_slice %arg2[%dma_start3A_19] : memref<67108864xf32, #tpu.memory_space<hbm>> -> memref<16xf32, #tpu.memory_space<hbm>>
        tpu.enqueue_dma source(%dma_start3A_20 : memref<16xf32, #tpu.memory_space<hbm>>) target(%arg6 : memref<16xf32, #tpu.memory_space<vmem>>) target_semaphore(%run_scoped3A : memref<!tpu.dma_semaphore, #tpu.memory_space<semaphore_mem>>)
        %dma_wait3A = arith.constant 0 : i32
        %dma_wait3A_21 = tpu.memref_slice %arg2[%dma_wait3A] : memref<67108864xf32, #tpu.memory_space<hbm>> -> memref<16xf32, #tpu.memory_space<hbm>>
        %dma_wait3A_22 = arith.constant 0 : i32
        %dma_wait3A_23 = tpu.memref_slice %arg2[%dma_wait3A_22] : memref<67108864xf32, #tpu.memory_space<hbm>> -> memref<16xf32, #tpu.memory_space<hbm>>
        tpu.wait_dma2 semaphore(%run_scoped3A : memref<!tpu.dma_semaphore, #tpu.memory_space<semaphore_mem>>) src(%dma_wait3A_23 : memref<16xf32, #tpu.memory_space<hbm>>) dst(%arg6 : memref<16xf32, #tpu.memory_space<vmem>>)
        tpu.yield
      }) : () -> ()
      %iota3A = tpu.iota {dimensions = array<i32: 0>} : vector<16xi32>
      %eq3A_10 = arith.constant 0 : i32
      %eq3A_11 = vector.broadcast %eq3A_10 : i32 to vector<16xi32>
      %eq3A_12 = arith.cmpi eq, %iota3A, %eq3A_11 : vector<16xi32>
      %get3A = arith.constant 0 : index
      %get3A_13 = tpu.vector_load %arg6[%get3A] {strides = array<i32>} : memref<16xf32, #tpu.memory_space<vmem>>, vector<16xf32>,
      %get3A_14 = vector.shape_cast %get3A_13 : vector<16xf32> to vector<16xf32>
      %jit3A = arith.constant 0.000000e+00 : f32
      %broadcast_in_dim3A = vector.broadcast %jit3A : f32 to vector<16xf32>
      %select_n3A = arith.select %eq3A_12, %broadcast_in_dim3A, %get3A_14 : vector<16xi1>, vector<16xf32>
      %swap3A = arith.constant 0 : index
      %swap3A_15 = tpu.vector_load %arg6[%swap3A] {strides = array<i32>} : memref<16xf32, #tpu.memory_space<vmem>>, vector<16xf32>,
      %swap3A_16 = vector.shape_cast %swap3A_15 : vector<16xf32> to vector<16xf32>
      %swap3A_17 = vector.shape_cast %select_n3A : vector<16xf32> to vector<16xf32>
      tpu.vector_store %arg6[%swap3A], %swap3A_17 {strides = array<i32>} : memref<16xf32, #tpu.memory_space<vmem>>, vector<16xf32>,
      "tpu.region"() ({
        %run_scoped3A = tpu.sem_alloc : memref<!tpu.dma_semaphore, #tpu.memory_space<semaphore_mem>>
        %dma_start3A = arith.constant 0 : i32
        %dma_start3A_18 = tpu.memref_slice %arg3[%dma_start3A] : memref<67108864xf32, #tpu.memory_space<hbm>> -> memref<16xf32, #tpu.memory_space<hbm>>
        %dma_start3A_19 = arith.constant 0 : i32
        %dma_start3A_20 = tpu.memref_slice %arg3[%dma_start3A_19] : memref<67108864xf32, #tpu.memory_space<hbm>> -> memref<16xf32, #tpu.memory_space<hbm>>
        tpu.enqueue_dma source(%arg6 : memref<16xf32, #tpu.memory_space<vmem>>) target(%dma_start3A_20 : memref<16xf32, #tpu.memory_space<hbm>>) target_semaphore(%run_scoped3A : memref<!tpu.dma_semaphore, #tpu.memory_space<semaphore_mem>>)
        %dma_wait3A = arith.constant 0 : i32
        %dma_wait3A_21 = tpu.memref_slice %arg3[%dma_wait3A] : memref<67108864xf32, #tpu.memory_space<hbm>> -> memref<16xf32, #tpu.memory_space<hbm>>
        %dma_wait3A_22 = arith.constant 0 : i32
        %dma_wait3A_23 = tpu.memref_slice %arg3[%dma_wait3A_22] : memref<67108864xf32, #tpu.memory_space<hbm>> -> memref<16xf32, #tpu.memory_space<hbm>>
        tpu.wait_dma2 semaphore(%run_scoped3A : memref<!tpu.dma_semaphore, #tpu.memory_space<semaphore_mem>>) src(%arg6 : memref<16xf32, #tpu.memory_space<vmem>>) dst(%dma_wait3A_23 : memref<16xf32, #tpu.memory_space<hbm>>)
        tpu.yield
      }) : () -> ()
    } else {
    }
    return
  }
}

</mosaic_0001>

<sc_bundles>
// kernel: kernel.3.cloned.1.call-start
scs
__scs_entry_jumppad:
0x0: {  	(pc) =	sbr.rel $0x88, $3  }
0x1: {  	(tag) =	ssettag $0x0;
	lr =	simm.s32 $0x1  }
0x2: {  	[smem:$0x3FA0] =	sst lr;
	_ =	strace $0xD0000000  }
0x3: {  	_ = 	snop  }
0x4: {  	_ = 	snop  }
0x5: {  	_ = 	snop  }
0x6: {  	_ = 	snop  }
0x7: {  	_ = 	snop  }
__scs_overlays_trampoline_lowered:
0x8: {  	[smem:$0x3FAF] =	sst s0  }
0x9: {  	[smem:$0x3FB0] =	sst s1  }
0xa: {  	[smem:$0x3FB1] =	sst s2  }
0xb: {  	[smem:$0x3FB2] =	sst s3  }
0xc: {  	[smem:$0x3FB3] =	sst s4  }
0xd: {  	[smem:$0x3FB4] =	sst s5  }
0xe: {  	[smem:$0x3FB5] =	sst s6  }
0xf: {  	[smem:$0x3FB6] =	sst s7  }
0x10: {  	[smem:$0x3FB7] =	sst s8  }
0x11: {  	[smem:$0x3FB8] =	sst s9;
	s0 =	simm.s32 @!p0 $0x0  }
0x12: {  	s1 =	sld [smem:$0x3F9E];
	s0 =	simm.s32 @p0 $0x1  }
0x13: {  	[smem:$0x3FB9] =	sst s0;
	s0 =	simm.s32 @!p1 $0x0  }
0x14: {  	s2 =	sld [smem:$0x3F9D];
	s0 =	simm.s32 @p1 $0x1  }
0x15: {  	[smem:$0x3FBA] =	sst s0;
	s0 =	simm.s32 @!p2 $0x0  }
0x16: {  	s3 =	sld [smem:$0x3FDB];
	s0 =	simm.s32 @p2 $0x1  }
0x17: {  	s4 =	simm.s32 $0x1BF5;
	[smem:$0x3FBC] =	sst s0  }
0x18: {  	s0 =	sld [smem:$0x3F9F];
	_ =	swait.ge [sflag:s4], $0x0  }
0x19: {  	s7 =	sld [smem:$0x3FA0]  }
0x1a: {  	s8 =	sadd.s32 $0xFFFFE003, lr  }
0x1b: {  	s9 =	sadd.s32 $0xFFFFFEF7, lr;
	s5 =	simm.s32 $0xFFFFFFFF;
	p2 =	slt.u32 s8, $0xFFFFF086  }
0x1c: {  	p1 =	slt.u32 s9, $0xF7A;
	s5 =	simm.s32 @!p2 $0x0  }
0x1d: {  	s5 =	simm.s32 @p1 $0x1;
	p0 =	seq.s32 s7, s2  }
0x1e: {  	s7 =	smul.u32 @!p0 $0xF7A, s2;
	p2 =	seq.s32 @!p0 s5, $0x0  }
0x1f: {  	s9 =	smul.u32 $0xF7A, s1;
	s8 =	simm.s32 @!p0 $0x1BF5;
	p2 =	por !p2, p0  }
0x20: {  	[sflag:s8] =	ssyncset.s32 @!p0 $0xFFFFF086;
	s6 =	sadd.s32 @!p0 s3, s7;
	s7 =	simm.s32 @!p0 $0x108  }
0x21: {  	s3 =	sadd.s32 s3, s9;
	s6 =	sadd.s32 @!p0 $0x88, s6;
	s7 =	simm.s32 @p2 $0x1082  }
0x22: {  	[simem:s7], [sflag:s8] =	dma.local @!p0 [hbm:s6], $0xF7A  }
0x23: {  	s9 =	sor.u32 $0xD0000000, s2;
	s6 =	simm.s32 $0x108;
	_ =	swait.ge @!p0 [sflag:s8], $0x0  }
0x24: {  	s3 =	sadd.s32 $0x88, s3;
	s6 =	simm.s32 @!p1 $0x1082;
	[sflag:s4] =	ssyncset.s32 $0xFFFFF086  }
0x25: {  	[simem:s6], [sflag:s4] =	dma.local [hbm:s3], $0xF7A  }
0x26: {  	[smem:$0x3FA0] =	sst s1;
	(tag) =	ssettag s2;
	_ =	strace s9  }
0x27: {  	s1 =	sld [smem:$0x3FB0]  }
0x28: {  	s2 =	sld [smem:$0x3FB1]  }
0x29: {  	s4 =	sld [smem:$0x3FB3]  }
0x2a: {  	p0 =	seq.s32 s5, $0x0;
	s5 =	sld [smem:$0x3FB4]  }
0x2b: {  	s6 =	sld [smem:$0x3FB5]  }
0x2c: {  	s7 =	sld [smem:$0x3FB6]  }
0x2d: {  	s3 =	simm.s32 $0x108;
	s8 =	sld [smem:$0x3FB7]  }
0x2e: {  	s3 =	simm.s32 @!p0 $0x1082;
	s9 =	sld [smem:$0x3FB8]  }
0x2f: {  	lr =	sadd.s32 s0, s3;
	s0 =	sld [smem:$0x3FAF]  }
0x30: {  	s3 =	sld [smem:$0x3FB2]  }
0x31: {  	[smem:$0x3FBB] =	sst s10  }
0x32: {  	s10 =	sld [smem:$0x3FB9];
	_ =	sdelay $0x3  }
0x33: {  	p0 =	seq.s32 s10, $0x1;
	s10 =	sld [smem:$0x3FBB];
	_ =	sdelay $0x3  }
0x34: {  	[smem:$0x3FBB] =	sst s10  }
0x35: {  	s10 =	sld [smem:$0x3FBA];
	_ =	sdelay $0x3  }
0x36: {  	p1 =	seq.s32 s10, $0x1;
	s10 =	sld [smem:$0x3FBB];
	_ =	sdelay $0x3  }
0x37: {  	[smem:$0x3FBB] =	sst s10  }
0x38: {  	s10 =	sld [smem:$0x3FBC]  }
0x39: {  	_ = 	snop;
	(pc) =	sbr.ind lr, $3  }
0x3a: {  	_ = 	snop  }
0x3b: {  	_ = 	snop  }
0x3c: {  	p2 =	seq.s32 s10, $0x1;
	s10 =	sld [smem:$0x3FBB]  }
0x3d: {  	_ =	shalt  }
0x3e: {  	_ =	shalt  }
0x3f: {  	_ =	shalt  }
0x40: {  	_ =	shalt  }
0x41: {  	_ =	shalt  }
0x42: {  	_ =	shalt  }
0x43: {  	_ =	shalt  }
0x44: {  	_ =	shalt  }
0x45: {  	_ =	shalt  }
0x46: {  	_ =	shalt  }
0x47: {  	_ =	shalt  }
0x48: {  	_ =	shalt  }
0x49: {  	_ =	shalt  }
0x4a: {  	_ =	shalt  }
0x4b: {  	_ =	shalt  }
0x4c: {  	_ =	shalt  }
0x4d: {  	_ =	shalt  }
0x4e: {  	_ =	shalt  }
0x4f: {  	_ =	shalt  }
0x50: {  	_ =	shalt  }
0x51: {  	_ =	shalt  }
0x52: {  	_ =	shalt  }
0x53: {  	_ =	shalt  }
0x54: {  	_ =	shalt  }
0x55: {  	_ =	shalt  }
0x56: {  	_ =	shalt  }
0x57: {  	_ =	shalt  }
0x58: {  	_ =	shalt  }
0x59: {  	_ =	shalt  }
0x5a: {  	_ =	shalt  }
0x5b: {  	_ =	shalt  }
0x5c: {  	_ =	shalt  }
0x5d: {  	_ =	shalt  }
0x5e: {  	_ =	shalt  }
0x5f: {  	_ =	shalt  }
0x60: {  	_ =	shalt  }
0x61: {  	_ =	shalt  }
0x62: {  	_ =	shalt  }
0x63: {  	_ =	shalt  }
0x64: {  	_ =	shalt  }
0x65: {  	_ =	shalt  }
0x66: {  	_ =	shalt  }
0x67: {  	_ =	shalt  }
0x68: {  	_ =	shalt  }
0x69: {  	_ =	shalt  }
0x6a: {  	_ =	shalt  }
0x6b: {  	_ =	shalt  }
0x6c: {  	_ =	shalt  }
0x6d: {  	_ =	shalt  }
0x6e: {  	_ =	shalt  }
0x6f: {  	_ =	shalt  }
0x70: {  	_ =	shalt  }
0x71: {  	_ =	shalt  }
0x72: {  	_ =	shalt  }
0x73: {  	_ =	shalt  }
0x74: {  	_ =	shalt  }
0x75: {  	_ =	shalt  }
0x76: {  	_ =	shalt  }
0x77: {  	_ =	shalt  }
0x78: {  	_ =	shalt  }
0x79: {  	_ =	shalt  }
0x7a: {  	_ =	shalt  }
0x7b: {  	_ =	shalt  }
0x7c: {  	_ =	shalt  }
0x7d: {  	_ =	shalt  }
0x7e: {  	_ =	shalt  }
0x7f: {  	_ =	shalt  }
0x80: {  	_ =	shalt  }
0x81: {  	_ =	shalt  }
0x82: {  	_ =	shalt  }
0x83: {  	_ =	shalt  }
0x84: {  	_ =	shalt  }
0x85: {  	_ =	shalt  }
0x86: {  	_ =	shalt  }
0x87: {  	_ =	shalt  }
.Lfunc_end0:
.L_simem_size_0:
called_computation_lowered:
.L_overlay_start_0:
0x88: {  	s2 =	sld [smem:$0x3FD9]  }
0x89: {  	s3 =	sld [smem:$0x3FFE];
	_ =	sdelay $0x1  }
0x8a: {  	s1 =	srdreg.scid  }
0x8b: {  	s0 =	sand.u32 $0x1, s1  }
0x8c: {  	s18 =	sshll.u32 s0, $0xA;
	s2 =	sadd.s32 s3, s2  }
0x8d: {  	s2 =	sadd.s32 s2, s18  }
0x8e: {  	[smem:$0x3FC7] =	sst s2  }
0x8f: {  	_ = 	snop  }
0x90: {  	s2 =	sld [smem:$0x3FC9]  }
0x91: {  	s19 =	sld [smem:$0x3FD0];
	(tm) =	ssettm $0x1  }
0x92: {  	s4 =	sld [smem:$0x3FFB];
	_ =	sdelay $0x3  }
0x93: {  	_ =	strace s4  }
0x94: {  	s4 =	sld [smem:$0x3FFC];
	_ =	sdelay $0x3  }
0x95: {  	_ =	strace s4  }
0x96: {  	s4 =	sld [smem:$0x3FFD];
	_ =	sdelay $0x3  }
0x97: {  	_ =	strace s4  }
0x98: {  	_ =	strace $0x8FFFFFFF  }
0x99: {  	s20 =	sld [smem:$0x3FDB];
	_ =	sdelay $0x1  }
0x9a: {  	s5 =	simm.s32 $_scs_section_size  }
0x9b: {  	s6 =	simm.s32 $_size__tile_overlayer_lowered;
	s7 =	simm.s32 $_tile_overlayer_lowered  }
0x9c: {  	s23 =	simm.s32 $0x1BFF;
	s22 =	sshll.u32 s7, $0x1;
	s4 =	sadd.s32 s5, s20  }
0x9d: {  	s8 =	simm.s32 $0x0;
	s21 =	sshll.u32 s6, $0x1;
	s6 =	sadd.s32 s22, s4  }
0x9e: {  	[timem:s8], [sflag:s23] =	dma.local [hbm:s6], s21  }
0x9f: {  	_ =	swait.ge [sflag:s23], s21  }
0xa0: {  	s5 =	ssub.s32 $0x0, s21;
	[sflag:s23] =	ssyncset.done $0x0  }
0xa1: {  	[sflag:s23] =	ssyncadd.s32 s5;
	_ =	sdelay $0x1  }
0xa2: {  	s24 =	simm.s32 $0x1B8B  }
0xa3: {  	_ =	swait.ge [sflag:s24], $0x1  }
0xa4: {  	[sflag:s24] =	ssyncset.done $0x0  }
0xa5: {  	s25 =	simm.s32 $0x1B8E;
	[sflag:s24] =	ssyncadd.s32 $0xFFFFFFFF  }
0xa6: {  	s26 =	simm.s32 $execute0_lowered;
	[smem:$0x3FD2] =	sst s25  }
0xa7: {  	s5 =	sshll.u32 s26, $0x1;
	_ =	strace $0x80000046;
	[dreg:$0x1] =	wrdreg $0xFFFFFFFF  }
0xa8: {  	s28 =	simm.s32 $_size_execute0_lowered;
	s4 =	sadd.s32 s4, s5;
	[dreg:$0x0] =	wrdreg $0x0  }
0xa9: {  	s5 =	sshll.u32 s28, $0x1;
	[dreg:$0x2] =	wrdreg s4  }
0xaa: {  	[dreg:$0x3] =	wrdreg s5  }
0xab: {  	[dreg:$0x4] =	wrdreg $0xC0  }
0xac: {  	_ =	task [dreg:s8], $0x5FFFF  }
0xad: {  	[dreg:$0x1] =	wrdreg $0xFFFFFFFF  }
0xae: {  	[dreg:$0x0] =	wrdreg $0x60  }
0xaf: {  	[dreg:$0x2] =	wrdreg s2  }
0xb0: {  	[dreg:$0x3] =	wrdreg s19  }
0xb1: {  	[dreg:$0x4] =	wrdreg $0x0  }
0xb2: {  	[dreg:$0x5] =	wrdreg $0x80000  }
0xb3: {  	[dreg:$0x6] =	wrdreg $0x9  }
0xb4: {  	_ =	task.clear_ibuf [dreg:s8], $0x7FFFF;
	_ =	strace $0x90000046  }
0xb5: {  	s29 =	simm.s32 $0x9;
	_ =	strace $0x80000048  }
0xb6: {  	_ =	swait.ge [sflag:s29], $0x1  }
0xb7: {  	[sflag:s29] =	ssyncadd.s32 $0xFFFFFFFF  }
0xb8: {  	_ =	strace $0x90000048  }
0xb9: {  	_ =	sfence  }
0xba: {  	s30 =	sld [smem:$0x0];
	_ =	sdelay $0x2  }
0xbb: {  	s31 =	sshll.u32 s1, $0xD;
	s1 =	sshrl.u32 s1, $0x2  }
0xbc: {  	s3 =	sand.u32 $0x4000, s31;
	s1 =	sadd.s32 s1, s30  }
0xbd: {  	s0 =	sor.u32 s3, s0;
	s1 =	sshll.u32 s1, $0x11  }
0xbe: {  	s0 =	sor.u32 s1, s0  }
0xbf: {  	s0 =	sadd.s32 $0x8F2B, s0  }
0xc0: {  	[sflag:s0] =	ssyncadd.remote.s32 $0x1  }
0xc1: {  	_ =	sfence.sel $0xFFFF  }
0xc2: {  	[dreg:$0x0] =	wrdreg $0xFFFFFFFF;
	(pc) =	sbr.abs _section_cstart, $3  }
0xc3: {  	[dreg:$0x1] =	wrdreg $0xFFFFFFFF  }
0xc4: {  	_ =	task.clear_ibuf [dreg:s8], $0x2FFFF;
	_ =	strace $0x9FFFFFFF  }
0xc5: {  	(tm) =	ssettm $0x7FFFFFFF  }
tec
execute0_lowered:
.L_overlay_start_1:
0x0: {  	(tag) =	ssettag $0x1  }
0x1: {  	s1 =	rddreg [dreg:$0x0]  }
0x2: {  	s2 =	rddreg [dreg:$0x1]  }
0x3: {  	s10 =	rddreg [dreg:$0x2]  }
0x4: {  	s12 =	rddreg [dreg:$0x3];
	s4 =	srdreg.scid  }
0x5: {  	s0 =	rddreg [dreg:$0x4];
	s3 =	simm.s32 $0x0;
	s9 =	stileid.u32  }
0x6: {  	s13 =	simm.s32 $0x1;
	s14 =	simm.s32 $0x1C03;
	s15 =	simm.s32 $0x2  }
0x7: {  	s16 =	simm.s32 $0x1C04;
	s17 =	simm.s32 $0x3;
	s18 =	simm.s32 $0x4  }
0x8: {  	s8 =	sand.u32 $0x1, s4;
	[smem:$0x7FF] =	sst s3;
	p0 =	sne.s32 s9, $0x0  }
0x9: {  	s10 =	sshrl.u32 s10, $0x3;
	s12 =	sshrl.u32 s12, $0x3;
	s4 =	ssub.s32 $0x2, s8  }
.Ltmp0:
0xa: {  	_ =	strace $0x80000047;
	s6 =	sshll.u32 s8, $0x16;
	(pc) =	sbr.rel .LBB2_1-.Ltmp0, $4  }
0xb: {  	s19 =	sor.u32 s9, s8;
	s9 =	simm.s32 $0x1C01;
	s5 =	sshrl.u32 s4, $0x1  }
0xc: {  	s7 =	sor.u32 $0x10000, s6;
	p1 =	sne.s32 s19, $0x0;
	s11 =	ssub.s32 s4, s5  }
0xd: {  	s4 =	sadd.s32 s1, s6;
	s5 =	sadd.s32 s1, s7;
	s6 =	sadd.s32 s2, s6  }
0xe: {  	s7 =	sadd.s32 s2, s7;
	s8 =	smax.u32 s11, $0x1;
	s11 =	simm.s32 $0x1C02  }
.LBB2_5:
0xf: {  	s19 =	simm.s32 @!p1 $0x0;
	s20 =	simm.s32 @!p1 $0x10000;
	s21 =	simm.s32 @!p1 $0x5  }
0x10: {  	[tilespmem:s20], [sflag:$0x5] =	stream.linear.gather @!p1 [hbm4b:s1+s19], $0x10, $0x38;
	[tilespmem:$0x10080] =	vst v63  }
0x11: {  	_ =	swait.ge @!p1 [sflag:s21], $0x10  }
0x12: {  	[sflag:s21] =	ssyncset.done @!p1 $0x0  }
0x13: {  	[sflag:s21] =	ssyncadd.s32 @!p1 $0xFFFFFFF0  }
0x14: {  	v0 =	vld @!p1 [tilespmem:$0x10000];
	_ =	sdelay $0x2  }
0x15: {  	v1 =	vlaneseq.u32 @!p1  }
0x16: {  	s3 =	sadd.s32 $0x1, s3;
	vm0 =	veq.s32 @!p1 v1, $0x0  }
0x17: {  	p2 =	sne.s32 s3, s8;
	v0 =	vsel @!p1 vm0, $0x0, v0  }
.Ltmp1:
0x18: {  	[tilespmem:$0x10000] =	vst @!p1 v0;
	(pc) =	sbr.rel @!p2 .LBB2_6-.Ltmp1, $4  }
0x19: {  	[hbm4b:s2+s19] =	stream.linear.scatter @!p1 [tilespmem:s20], [sflag:$0x5], $0x10, $0x38;
	[tilespmem:$0x10080] =	vst v63  }
0x1a: {  	_ =	swait.ge @!p1 [sflag:s21], $0x10  }
0x1b: {  	[sflag:s21] =	ssyncset.done @!p1 $0x0  }
0x1c: {  	[sflag:s21] =	ssyncadd.s32 @!p1 $0xFFFFFFF0  }
.LBB2_1:
.Ltmp2:
0x1d: {  	(pc) =	sbr.rel @p0 .LBB2_5-.Ltmp2, $1  }
0x1e: {  	_ =	sdelay $0x3  }
0x1f: {  	[spmem:s10], [sflag:s9] =	dma.local [hbm:s4], $0x10000  }
0x20: {  	[spmem:s12], [sflag:s11] =	dma.local [hbm:s5], $0x10000  }
0x21: {  	_ =	swait.ge [sflag:s13], $0x10000  }
0x22: {  	[sflag:s13] =	ssyncset.done $0x0  }
0x23: {  	[sflag:s13] =	ssyncadd.s32 $0xFFFF0000  }
0x24: {  	[hbm:s6], [sflag:s14] =	dma.local [spmem:s10], $0x10000  }
0x25: {  	_ =	swait.ge [sflag:s15], $0x10000  }
0x26: {  	[sflag:s15] =	ssyncset.done $0x0  }
0x27: {  	[sflag:s15] =	ssyncadd.s32 $0xFFFF0000  }
0x28: {  	[hbm:s7], [sflag:s16] =	dma.local [spmem:s12], $0x10000  }
0x29: {  	_ =	swait.ge [sflag:s17], $0x10000  }
0x2a: {  	s19 =	sadd.s32 $0xFFC20000, s4;
	[sflag:s17] =	ssyncset.done $0x0  }
0x2b: {  	s20 =	sadd.s32 $0x400000, s19;
	[sflag:s17] =	ssyncadd.s32 $0xFFFF0000  }
0x2c: {  	[spmem:s10], [sflag:s9] =	dma.local [hbm:s20], $0x10000  }
0x2d: {  	_ =	swait.ge [sflag:s18], $0x10000  }
0x2e: {  	[sflag:s18] =	ssyncset.done $0x0  }
0x2f: {  	s19 =	sadd.s32 $0x410000, s19;
	[sflag:s18] =	ssyncadd.s32 $0xFFFF0000  }
0x30: {  	[spmem:s12], [sflag:s11] =	dma.local [hbm:s19], $0x10000  }
0x31: {  	_ =	swait.ge [sflag:s13], $0x10000  }
0x32: {  	s30 =	sadd.s32 $0xFFC20000, s6;
	[sflag:s13] =	ssyncset.done $0x0  }
0x33: {  	s31 =	sadd.s32 $0x400000, s30;
	[sflag:s13] =	ssyncadd.s32 $0xFFFF0000  }
0x34: {  	[hbm:s31], [sflag:s14] =	dma.local [spmem:s10], $0x10000  }
0x35: {  	_ =	swait.ge [sflag:s15], $0x10000  }
0x36: {  	[sflag:s15] =	ssyncset.done $0x0  }
0x37: {  	s20 =	sadd.s32 $0x410000, s30;
	s19 =	simm.s32 $0xFFC40000;
	[sflag:s15] =	ssyncadd.s32 $0xFFFF0000  }
.LBB2_3:
0x38: {  	[hbm:s20], [sflag:s16] =	dma.local [spmem:s12], $0x10000  }
0x39: {  	s20 =	smov.u32 s19  }
0x3a: {  	p2 =	sne.s32 s19, $0xFFFE0000;
	s19 =	sadd.s32 $0x20000, s19;
	_ =	swait.ge [sflag:s17], $0x10000  }
0x3b: {  	s21 =	sadd.s32 s20, s4;
	[sflag:s17] =	ssyncset.done $0x0  }
0x3c: {  	s22 =	sadd.s32 $0x400000, s21;
	[sflag:s17] =	ssyncadd.s32 $0xFFFF0000  }
0x3d: {  	[spmem:s10], [sflag:s9] =	dma.local [hbm:s22], $0x10000  }
0x3e: {  	_ =	swait.ge [sflag:s18], $0x10000  }
0x3f: {  	[sflag:s18] =	ssyncset.done $0x0  }
0x40: {  	s21 =	sadd.s32 $0x410000, s21;
	[sflag:s18] =	ssyncadd.s32 $0xFFFF0000  }
0x41: {  	[spmem:s12], [sflag:s11] =	dma.local [hbm:s21], $0x10000  }
0x42: {  	_ =	swait.ge [sflag:s13], $0x10000  }
0x43: {  	s20 =	sadd.s32 s20, s6;
	[sflag:s13] =	ssyncset.done $0x0  }
.Ltmp3:
0x44: {  	s21 =	sadd.s32 $0x400000, s20;
	[sflag:s13] =	ssyncadd.s32 $0xFFFF0000;
	(pc) =	sbr.rel @p2 .LBB2_3-.Ltmp3, $4  }
0x45: {  	[hbm:s21], [sflag:s14] =	dma.local [spmem:s10], $0x10000  }
0x46: {  	_ =	swait.ge [sflag:s15], $0x10000  }
0x47: {  	[sflag:s15] =	ssyncset.done $0x0  }
0x48: {  	s20 =	sadd.s32 $0x410000, s20;
	[sflag:s15] =	ssyncadd.s32 $0xFFFF0000  }
0x49: {  	[hbm:s20], [sflag:s16] =	dma.local [spmem:s12], $0x10000  }
0x4a: {  	_ =	swait.ge [sflag:s17], $0x10000  }
.Ltmp4:
0x4b: {  	[sflag:s17] =	ssyncset.done $0x0;
	(pc) =	sbr.rel .LBB2_5-.Ltmp4, $4  }
0x4c: {  	[sflag:s17] =	ssyncadd.s32 $0xFFFF0000  }
0x4d: {  	_ =	swait.ge [sflag:s18], $0x10000  }
0x4e: {  	[sflag:s18] =	ssyncset.done $0x0  }
0x4f: {  	[sflag:s18] =	ssyncadd.s32 $0xFFFF0000  }
.LBB2_6:
0x50: {  	_ =	sfence.sel $0x180000  }
0x51: {  	[bflag:$0x0] =	sbarrier.arrive $0xFFFF  }
0x52: {  	_ =	strace $0x90000047  }
0x53: {  	s0 =	sadd.s32 @!p0 $0x100000, s0;
	[bflag:$0x2] =	sbarrier.arrive $0xFFFF  }
0x54: {  	[sflag:s0] =	ssyncadd.tile.s32 @!p0 $0x1;
	_ =	shalt  }
.Lfunc_end2:
_tile_overlayer_lowered:
.L_overlay_start_2:
0x55: {  	(tag) =	ssettag $0x2  }
0x56: {  	s0 =	rddreg [dreg:$0x0];
	s2 =	stileid.u32  }
0x57: {  	s1 =	rddreg [dreg:$0x1];
	p0 =	sne.s32 s2, $0x0  }
0x58: {  	s3 =	rddreg [dreg:$0x2];
	[bflag:$0x3] =	sbarrier.arrive $0xFFFF;
	s2 =	simm.s32 @!p0 $0x1C05  }
0x59: {  	[timem:s3], [sflag:s2] =	dma.local @!p0 [hbm:s0], s1  }
0x5a: {  	s0 =	simm.s32 @!p0 $0x5  }
0x5b: {  	_ =	swait.ge @!p0 [sflag:s0], s1  }
0x5c: {  	s1 =	ssub.s32 @!p0 $0x0, s1;
	[sflag:s0] =	ssyncset.done @!p0 $0x0  }
0x5d: {  	[sflag:s0] =	ssyncadd.s32 @!p0 s1  }
0x5e: {  	[bflag:$0x3] =	sbarrier.arrive $0xFFFF  }
0x5f: {  	_ =	shalt  }

</sc_bundles>
